<compile_context>
chip_gen: v7x
topology: tpu7x:2x2x1
jax: 0.10.2.dev20260603
libtpu: 0.0.44.dev20260713+nightly
codegen_flags: <defaults>
</compile_context>

<pallas_src>
import math

import jax
import jax.numpy as jnp
from jax import lax
from jax.experimental import pallas as pl
from jax.experimental.pallas import tpu as pltpu
from jax.experimental.pallas import tpu_sc as plsc

N_ROWS = 2048
N_COLS = 100000
PAD = 0
SMOOTHING = 0.1
CONFIDENCE = 1.0 - SMOOTHING
EPS = SMOOTHING / (N_COLS - 2)
C0 = (N_COLS - 2) * EPS * math.log(EPS) + CONFIDENCE * math.log(CONFIDENCE)


BC = 1000
NBLK = N_COLS // BC


def _tc_body(tgt_ref, xt_ref, s_ref, g_ref, z_ref):
    c = pl.program_id(0)
    rows8 = lax.broadcasted_iota(jnp.int32, (8, N_ROWS), 0)

    @pl.when(c == 0)
    def _():
        s_ref[...] = jnp.zeros((8, N_ROWS), jnp.float32)
        g_ref[...] = jnp.zeros((8, N_ROWS), jnp.float32)
        z_ref[...] = jnp.where(rows8 == 0, xt_ref[0:8, :], 0.0)

    xb = xt_ref[...]
    s_ref[...] += jnp.sum(xb.reshape(BC // 8, 8, N_ROWS), axis=0)
    vocab = c * BC + lax.broadcasted_iota(jnp.int32, (BC, N_ROWS), 0)
    hit = jnp.where(vocab == tgt_ref[0:1, :], xb, 0.0)
    g_ref[...] += jnp.sum(hit.reshape(BC // 8, 8, N_ROWS), axis=0)

    @pl.when(c == NBLK - 1)
    def _():
        s_tot = jnp.sum(s_ref[...], axis=0, keepdims=True)
        g_tot = jnp.sum(g_ref[...], axis=0, keepdims=True)
        s_ref[...] = jnp.where(rows8 == 0, s_tot, 0.0)
        g_ref[...] = jnp.where(rows8 == 0, g_tot, 0.0)


def _tc_dense(xt, tgt8):
    out = jax.ShapeDtypeStruct((8, N_ROWS), jnp.float32)
    acc_spec = pl.BlockSpec((8, N_ROWS), lambda c: (0, 0))
    return pl.pallas_call(
        _tc_body,
        grid=(NBLK,),
        in_specs=[
            acc_spec,
            pl.BlockSpec((BC, N_ROWS), lambda c: (c, 0)),
        ],
        out_specs=(acc_spec, acc_spec, acc_spec),
        out_shape=(out, out, out),
    )(tgt8, xt)



_NC, _NS, _L = 2, 16, 16
_NW = _NC * _NS
_BPW = N_ROWS // _NW
_CH = _BPW // _L


def _sc_body(tgt_hbm, s_hbm, g_hbm, z_hbm, out_hbm,
             tgt_v, s_v, g_v, z_v, acc_v):
    wid = lax.axis_index("s") * _NC + lax.axis_index("c")
    base = wid * _BPW
    pltpu.sync_copy(tgt_hbm.at[pl.ds(base, _BPW)], tgt_v)
    pltpu.sync_copy(s_hbm.at[pl.ds(base, _BPW)], s_v)
    pltpu.sync_copy(g_hbm.at[pl.ds(base, _BPW)], g_v)
    pltpu.sync_copy(z_hbm.at[pl.ds(base, _BPW)], z_v)
    acc = jnp.zeros((_L,), jnp.float32)
    for c in range(_CH):
        t = tgt_v[pl.ds(c * _L, _L)]
        s = s_v[pl.ds(c * _L, _L)]
        g = g_v[pl.ds(c * _L, _L)]
        z = z_v[pl.ds(c * _L, _L)]
        term = C0 - EPS * (s - z - g) - CONFIDENCE * g
        acc = acc + jnp.where(t == PAD, 0.0, term)
    acc_v[...] = acc
    pltpu.sync_copy(acc_v, out_hbm.at[wid])


def _sc_sparse_terms(tgt, s, g, z):
    mesh = plsc.VectorSubcoreMesh(core_axis_name="c", subcore_axis_name="s")
    vec = lambda: pltpu.VMEM((_BPW,), jnp.float32)
    f = pl.kernel(
        _sc_body,
        mesh=mesh,
        out_type=jax.ShapeDtypeStruct((_NW, _L), jnp.float32),
        scratch_types=[
            pltpu.VMEM((_BPW,), jnp.int32),
            vec(), vec(), vec(),
            pltpu.VMEM((_L,), jnp.float32),
        ],
    )
    return f(tgt, s, g, z)




def kernel(x, target):
    tgt = target.astype(jnp.int32)
    tgt8 = jnp.broadcast_to(tgt.reshape(1, N_ROWS), (8, N_ROWS))
    s8, g8, z8 = _tc_dense(x.T, tgt8)
    part = _sc_sparse_terms(
        tgt, jnp.sum(s8, axis=0), jnp.sum(g8, axis=0), jnp.sum(z8, axis=0)
    )
    return jnp.sum(part).astype(jnp.float32)

# --- scband reference (transcript-rebuilt; emitter-appended) ---
"""Pipeline reference for scband-label-smoothing-36687610642907 (READ-ONLY COPY).

The authoritative reference and input builder live on the scoring server;
editing this copy changes nothing except your own understanding.
"""

import jax, jax.numpy as jnp
import numpy as np

SIZE = 100000
PAD = 0
SMOOTHING = 0.1
CONFIDENCE = 1.0 - SMOOTHING


def setup_inputs(seed: int = 0) -> dict:
    key = jax.random.key(seed)
    k1, k2 = jax.random.split(key)
    x = jax.random.normal(k1, (2048, SIZE), dtype=jnp.float32)
    target = jax.random.randint(k2, (2048,), 0, SIZE).astype(jnp.int64)
    return {"x": x, "target": target}


def reference(x, target):
    # Build smoothed true distribution (constant w.r.t. x, mirrors x.data.clone().fill_ ...)
    n = x.shape[0]
    true_dist = jnp.full(x.shape, SMOOTHING / (SIZE - 2), dtype=x.dtype)
    # scatter_(1, target.unsqueeze(1), confidence)
    true_dist = true_dist.at[jnp.arange(n), target].set(CONFIDENCE)
    # true_dist[:, padding_idx] = 0
    true_dist = true_dist.at[:, PAD].set(0.0)
    # index_fill_(0, rows where target == padding_idx, 0.0)
    pad_rows = (target == PAD)
    true_dist = jnp.where(pad_rows[:, None], 0.0, true_dist)
    # KLDivLoss(reduction='sum'): sum over elements of t * (log t - x), with 0*log(0) := 0
    safe = jnp.where(true_dist > 0, true_dist, 1.0)
    loss = jnp.sum(jnp.where(true_dist > 0, true_dist * (jnp.log(safe) - x), 0.0))
    return loss

if __name__ == "__main__":
    import jax
    _d = setup_inputs()
    print(jax.jit(kernel)(*tuple(_d.values())))

</pallas_src>

<mosaic_0001>
#map = affine_map<(d0, d1) -> (0)>
#map1 = affine_map<(d0, d1) -> (0, 0)>
module attributes {stable_mosaic.version = 14 : i64} {
  func.func @_sc_body(%arg0: i32, %arg1: i32, %arg2: memref<2048xi32, #tpu.memory_space<hbm>>, %arg3: memref<2048xf32, #tpu.memory_space<hbm>>, %arg4: memref<2048xf32, #tpu.memory_space<hbm>>, %arg5: memref<2048xf32, #tpu.memory_space<hbm>>, %arg6: memref<32x16xf32, #tpu.memory_space<hbm>>, %arg7: memref<64xi32, #tpu.memory_space<vmem>>, %arg8: memref<64xf32, #tpu.memory_space<vmem>>, %arg9: memref<64xf32, #tpu.memory_space<vmem>>, %arg10: memref<64xf32, #tpu.memory_space<vmem>>, %arg11: memref<16xf32, #tpu.memory_space<vmem>>) attributes {dimension_semantics = [#tpu.dimension_semantics<core_parallel>, #tpu.dimension_semantics<subcore_parallel>], iteration_bounds = array<i64: 2, 16>, scalar_prefetch = 0 : i64, scratch_operands = 5 : i64, tpu.core_type = #tpu.core_type<sc_vector_subcore>, window_params = [{transform_indices = #map}, {transform_indices = #map}, {transform_indices = #map}, {transform_indices = #map}, {transform_indices = #map1}]} {
    %mul3A = arith.constant 2 : i32
    %mul3A_0 = arith.muli %arg1, %mul3A : i32
    %add3A = arith.addi %mul3A_0, %arg0 : i32
    %mul3A_1 = arith.constant 64 : i32
    %mul3A_2 = arith.muli %add3A, %mul3A_1 : i32
    "tpu.region"() ({
      %run_scoped3A = tpu.sem_alloc : memref<!tpu.dma_semaphore, #tpu.memory_space<semaphore_mem>>
      %dma_start3A = tpu.memref_slice %arg2[%mul3A_2] : memref<2048xi32, #tpu.memory_space<hbm>> -> memref<64xi32, #tpu.memory_space<hbm>>
      %dma_start3A_126 = tpu.memref_slice %arg2[%mul3A_2] : memref<2048xi32, #tpu.memory_space<hbm>> -> memref<64xi32, #tpu.memory_space<hbm>>
      tpu.enqueue_dma source(%dma_start3A_126 : memref<64xi32, #tpu.memory_space<hbm>>) target(%arg7 : memref<64xi32, #tpu.memory_space<vmem>>) target_semaphore(%run_scoped3A : memref<!tpu.dma_semaphore, #tpu.memory_space<semaphore_mem>>)
      %dma_wait3A = tpu.memref_slice %arg2[%mul3A_2] : memref<2048xi32, #tpu.memory_space<hbm>> -> memref<64xi32, #tpu.memory_space<hbm>>
      %dma_wait3A_127 = tpu.memref_slice %arg2[%mul3A_2] : memref<2048xi32, #tpu.memory_space<hbm>> -> memref<64xi32, #tpu.memory_space<hbm>>
      tpu.wait_dma2 semaphore(%run_scoped3A : memref<!tpu.dma_semaphore, #tpu.memory_space<semaphore_mem>>) src(%dma_wait3A_127 : memref<64xi32, #tpu.memory_space<hbm>>) dst(%arg7 : memref<64xi32, #tpu.memory_space<vmem>>)
      tpu.yield
    }) : () -> ()
    "tpu.region"() ({
      %run_scoped3A = tpu.sem_alloc : memref<!tpu.dma_semaphore, #tpu.memory_space<semaphore_mem>>
      %dma_start3A = tpu.memref_slice %arg3[%mul3A_2] : memref<2048xf32, #tpu.memory_space<hbm>> -> memref<64xf32, #tpu.memory_space<hbm>>
      %dma_start3A_126 = tpu.memref_slice %arg3[%mul3A_2] : memref<2048xf32, #tpu.memory_space<hbm>> -> memref<64xf32, #tpu.memory_space<hbm>>
      tpu.enqueue_dma source(%dma_start3A_126 : memref<64xf32, #tpu.memory_space<hbm>>) target(%arg8 : memref<64xf32, #tpu.memory_space<vmem>>) target_semaphore(%run_scoped3A : memref<!tpu.dma_semaphore, #tpu.memory_space<semaphore_mem>>)
      %dma_wait3A = tpu.memref_slice %arg3[%mul3A_2] : memref<2048xf32, #tpu.memory_space<hbm>> -> memref<64xf32, #tpu.memory_space<hbm>>
      %dma_wait3A_127 = tpu.memref_slice %arg3[%mul3A_2] : memref<2048xf32, #tpu.memory_space<hbm>> -> memref<64xf32, #tpu.memory_space<hbm>>
      tpu.wait_dma2 semaphore(%run_scoped3A : memref<!tpu.dma_semaphore, #tpu.memory_space<semaphore_mem>>) src(%dma_wait3A_127 : memref<64xf32, #tpu.memory_space<hbm>>) dst(%arg8 : memref<64xf32, #tpu.memory_space<vmem>>)
      tpu.yield
    }) : () -> ()
    "tpu.region"() ({
      %run_scoped3A = tpu.sem_alloc : memref<!tpu.dma_semaphore, #tpu.memory_space<semaphore_mem>>
      %dma_start3A = tpu.memref_slice %arg4[%mul3A_2] : memref<2048xf32, #tpu.memory_space<hbm>> -> memref<64xf32, #tpu.memory_space<hbm>>
      %dma_start3A_126 = tpu.memref_slice %arg4[%mul3A_2] : memref<2048xf32, #tpu.memory_space<hbm>> -> memref<64xf32, #tpu.memory_space<hbm>>
      tpu.enqueue_dma source(%dma_start3A_126 : memref<64xf32, #tpu.memory_space<hbm>>) target(%arg9 : memref<64xf32, #tpu.memory_space<vmem>>) target_semaphore(%run_scoped3A : memref<!tpu.dma_semaphore, #tpu.memory_space<semaphore_mem>>)
      %dma_wait3A = tpu.memref_slice %arg4[%mul3A_2] : memref<2048xf32, #tpu.memory_space<hbm>> -> memref<64xf32, #tpu.memory_space<hbm>>
      %dma_wait3A_127 = tpu.memref_slice %arg4[%mul3A_2] : memref<2048xf32, #tpu.memory_space<hbm>> -> memref<64xf32, #tpu.memory_space<hbm>>
      tpu.wait_dma2 semaphore(%run_scoped3A : memref<!tpu.dma_semaphore, #tpu.memory_space<semaphore_mem>>) src(%dma_wait3A_127 : memref<64xf32, #tpu.memory_space<hbm>>) dst(%arg9 : memref<64xf32, #tpu.memory_space<vmem>>)
      tpu.yield
    }) : () -> ()
    "tpu.region"() ({
      %run_scoped3A = tpu.sem_alloc : memref<!tpu.dma_semaphore, #tpu.memory_space<semaphore_mem>>
      %dma_start3A = tpu.memref_slice %arg5[%mul3A_2] : memref<2048xf32, #tpu.memory_space<hbm>> -> memref<64xf32, #tpu.memory_space<hbm>>
      %dma_start3A_126 = tpu.memref_slice %arg5[%mul3A_2] : memref<2048xf32, #tpu.memory_space<hbm>> -> memref<64xf32, #tpu.memory_space<hbm>>
      tpu.enqueue_dma source(%dma_start3A_126 : memref<64xf32, #tpu.memory_space<hbm>>) target(%arg10 : memref<64xf32, #tpu.memory_space<vmem>>) target_semaphore(%run_scoped3A : memref<!tpu.dma_semaphore, #tpu.memory_space<semaphore_mem>>)
      %dma_wait3A = tpu.memref_slice %arg5[%mul3A_2] : memref<2048xf32, #tpu.memory_space<hbm>> -> memref<64xf32, #tpu.memory_space<hbm>>
      %dma_wait3A_127 = tpu.memref_slice %arg5[%mul3A_2] : memref<2048xf32, #tpu.memory_space<hbm>> -> memref<64xf32, #tpu.memory_space<hbm>>
      tpu.wait_dma2 semaphore(%run_scoped3A : memref<!tpu.dma_semaphore, #tpu.memory_space<semaphore_mem>>) src(%dma_wait3A_127 : memref<64xf32, #tpu.memory_space<hbm>>) dst(%arg10 : memref<64xf32, #tpu.memory_space<vmem>>)
      tpu.yield
    }) : () -> ()
    %broadcast_in_dim3A = arith.constant 0.000000e+00 : f32
    %broadcast_in_dim3A_3 = vector.broadcast %broadcast_in_dim3A : f32 to vector<16xf32>
    %get3A = arith.constant 0 : index
    %get3A_4 = tpu.vector_load %arg7[%get3A] {strides = array<i32>} : memref<64xi32, #tpu.memory_space<vmem>>, vector<16xi32>,
    %get3A_5 = vector.shape_cast %get3A_4 : vector<16xi32> to vector<16xi32>
    %get3A_6 = arith.constant 0 : index
    %get3A_7 = tpu.vector_load %arg8[%get3A_6] {strides = array<i32>} : memref<64xf32, #tpu.memory_space<vmem>>, vector<16xf32>,
    %get3A_8 = vector.shape_cast %get3A_7 : vector<16xf32> to vector<16xf32>
    %get3A_9 = arith.constant 0 : index
    %get3A_10 = tpu.vector_load %arg9[%get3A_9] {strides = array<i32>} : memref<64xf32, #tpu.memory_space<vmem>>, vector<16xf32>,
    %get3A_11 = vector.shape_cast %get3A_10 : vector<16xf32> to vector<16xf32>
    %get3A_12 = arith.constant 0 : index
    %get3A_13 = tpu.vector_load %arg10[%get3A_12] {strides = array<i32>} : memref<64xf32, #tpu.memory_space<vmem>>, vector<16xf32>,
    %get3A_14 = vector.shape_cast %get3A_13 : vector<16xf32> to vector<16xf32>
    %sub3A = arith.subf %get3A_8, %get3A_14 : vector<16xf32>
    %sub3A_15 = arith.subf %sub3A, %get3A_11 : vector<16xf32>
    %mul3A_16 = arith.constant 1.000020e-06 : f32
    %mul3A_17 = vector.broadcast %mul3A_16 : f32 to vector<16xf32>
    %mul3A_18 = arith.mulf %mul3A_17, %sub3A_15 : vector<16xf32>
    %sub3A_19 = arith.constant -1.47637355 : f32
    %sub3A_20 = vector.broadcast %sub3A_19 : f32 to vector<16xf32>
    %sub3A_21 = arith.subf %sub3A_20, %mul3A_18 : vector<16xf32>
    %mul3A_22 = arith.constant 0.899999976 : f32
    %mul3A_23 = vector.broadcast %mul3A_22 : f32 to vector<16xf32>
    %mul3A_24 = arith.mulf %mul3A_23, %get3A_11 : vector<16xf32>
    %sub3A_25 = arith.subf %sub3A_21, %mul3A_24 : vector<16xf32>
    %eq3A = arith.constant 0 : i32
    %eq3A_26 = vector.broadcast %eq3A : i32 to vector<16xi32>
    %eq3A_27 = arith.cmpi eq, %get3A_5, %eq3A_26 : vector<16xi32>
    %jit3A = arith.constant 0.000000e+00 : f32
    %broadcast_in_dim3A_28 = vector.broadcast %jit3A : f32 to vector<16xf32>
    %select_n3A = arith.select %eq3A_27, %broadcast_in_dim3A_28, %sub3A_25 : vector<16xi1>, vector<16xf32>
    %add3A_29 = arith.addf %broadcast_in_dim3A_3, %select_n3A : vector<16xf32>
    %get3A_30 = arith.constant 16 : index
    %get3A_31 = tpu.vector_load %arg7[%get3A_30] {strides = array<i32>} : memref<64xi32, #tpu.memory_space<vmem>>, vector<16xi32>,
    %get3A_32 = vector.shape_cast %get3A_31 : vector<16xi32> to vector<16xi32>
    %get3A_33 = arith.constant 16 : index
    %get3A_34 = tpu.vector_load %arg8[%get3A_33] {strides = array<i32>} : memref<64xf32, #tpu.memory_space<vmem>>, vector<16xf32>,
    %get3A_35 = vector.shape_cast %get3A_34 : vector<16xf32> to vector<16xf32>
    %get3A_36 = arith.constant 16 : index
    %get3A_37 = tpu.vector_load %arg9[%get3A_36] {strides = array<i32>} : memref<64xf32, #tpu.memory_space<vmem>>, vector<16xf32>,
    %get3A_38 = vector.shape_cast %get3A_37 : vector<16xf32> to vector<16xf32>
    %get3A_39 = arith.constant 16 : index
    %get3A_40 = tpu.vector_load %arg10[%get3A_39] {strides = array<i32>} : memref<64xf32, #tpu.memory_space<vmem>>, vector<16xf32>,
    %get3A_41 = vector.shape_cast %get3A_40 : vector<16xf32> to vector<16xf32>
    %sub3A_42 = arith.subf %get3A_35, %get3A_41 : vector<16xf32>
    %sub3A_43 = arith.subf %sub3A_42, %get3A_38 : vector<16xf32>
    %mul3A_44 = arith.constant 1.000020e-06 : f32
    %mul3A_45 = vector.broadcast %mul3A_44 : f32 to vector<16xf32>
    %mul3A_46 = arith.mulf %mul3A_45, %sub3A_43 : vector<16xf32>
    %sub3A_47 = arith.constant -1.47637355 : f32
    %sub3A_48 = vector.broadcast %sub3A_47 : f32 to vector<16xf32>
    %sub3A_49 = arith.subf %sub3A_48, %mul3A_46 : vector<16xf32>
    %mul3A_50 = arith.constant 0.899999976 : f32
    %mul3A_51 = vector.broadcast %mul3A_50 : f32 to vector<16xf32>
    %mul3A_52 = arith.mulf %mul3A_51, %get3A_38 : vector<16xf32>
    %sub3A_53 = arith.subf %sub3A_49, %mul3A_52 : vector<16xf32>
    %eq3A_54 = arith.constant 0 : i32
    %eq3A_55 = vector.broadcast %eq3A_54 : i32 to vector<16xi32>
    %eq3A_56 = arith.cmpi eq, %get3A_32, %eq3A_55 : vector<16xi32>
    %jit3A_57 = arith.constant 0.000000e+00 : f32
    %broadcast_in_dim3A_58 = vector.broadcast %jit3A_57 : f32 to vector<16xf32>
    %select_n3A_59 = arith.select %eq3A_56, %broadcast_in_dim3A_58, %sub3A_53 : vector<16xi1>, vector<16xf32>
    %add3A_60 = arith.addf %add3A_29, %select_n3A_59 : vector<16xf32>
    %get3A_61 = arith.constant 32 : index
    %get3A_62 = tpu.vector_load %arg7[%get3A_61] {strides = array<i32>} : memref<64xi32, #tpu.memory_space<vmem>>, vector<16xi32>,
    %get3A_63 = vector.shape_cast %get3A_62 : vector<16xi32> to vector<16xi32>
    %get3A_64 = arith.constant 32 : index
    %get3A_65 = tpu.vector_load %arg8[%get3A_64] {strides = array<i32>} : memref<64xf32, #tpu.memory_space<vmem>>, vector<16xf32>,
    %get3A_66 = vector.shape_cast %get3A_65 : vector<16xf32> to vector<16xf32>
    %get3A_67 = arith.constant 32 : index
    %get3A_68 = tpu.vector_load %arg9[%get3A_67] {strides = array<i32>} : memref<64xf32, #tpu.memory_space<vmem>>, vector<16xf32>,
    %get3A_69 = vector.shape_cast %get3A_68 : vector<16xf32> to vector<16xf32>
    %get3A_70 = arith.constant 32 : index
    %get3A_71 = tpu.vector_load %arg10[%get3A_70] {strides = array<i32>} : memref<64xf32, #tpu.memory_space<vmem>>, vector<16xf32>,
    %get3A_72 = vector.shape_cast %get3A_71 : vector<16xf32> to vector<16xf32>
    %sub3A_73 = arith.subf %get3A_66, %get3A_72 : vector<16xf32>
    %sub3A_74 = arith.subf %sub3A_73, %get3A_69 : vector<16xf32>
    %mul3A_75 = arith.constant 1.000020e-06 : f32
    %mul3A_76 = vector.broadcast %mul3A_75 : f32 to vector<16xf32>
    %mul3A_77 = arith.mulf %mul3A_76, %sub3A_74 : vector<16xf32>
    %sub3A_78 = arith.constant -1.47637355 : f32
    %sub3A_79 = vector.broadcast %sub3A_78 : f32 to vector<16xf32>
    %sub3A_80 = arith.subf %sub3A_79, %mul3A_77 : vector<16xf32>
    %mul3A_81 = arith.constant 0.899999976 : f32
    %mul3A_82 = vector.broadcast %mul3A_81 : f32 to vector<16xf32>
    %mul3A_83 = arith.mulf %mul3A_82, %get3A_69 : vector<16xf32>
    %sub3A_84 = arith.subf %sub3A_80, %mul3A_83 : vector<16xf32>
    %eq3A_85 = arith.constant 0 : i32
    %eq3A_86 = vector.broadcast %eq3A_85 : i32 to vector<16xi32>
    %eq3A_87 = arith.cmpi eq, %get3A_63, %eq3A_86 : vector<16xi32>
    %jit3A_88 = arith.constant 0.000000e+00 : f32
    %broadcast_in_dim3A_89 = vector.broadcast %jit3A_88 : f32 to vector<16xf32>
    %select_n3A_90 = arith.select %eq3A_87, %broadcast_in_dim3A_89, %sub3A_84 : vector<16xi1>, vector<16xf32>
    %add3A_91 = arith.addf %add3A_60, %select_n3A_90 : vector<16xf32>
    %get3A_92 = arith.constant 48 : index
    %get3A_93 = tpu.vector_load %arg7[%get3A_92] {strides = array<i32>} : memref<64xi32, #tpu.memory_space<vmem>>, vector<16xi32>,
    %get3A_94 = vector.shape_cast %get3A_93 : vector<16xi32> to vector<16xi32>
    %get3A_95 = arith.constant 48 : index
    %get3A_96 = tpu.vector_load %arg8[%get3A_95] {strides = array<i32>} : memref<64xf32, #tpu.memory_space<vmem>>, vector<16xf32>,
    %get3A_97 = vector.shape_cast %get3A_96 : vector<16xf32> to vector<16xf32>
    %get3A_98 = arith.constant 48 : index
    %get3A_99 = tpu.vector_load %arg9[%get3A_98] {strides = array<i32>} : memref<64xf32, #tpu.memory_space<vmem>>, vector<16xf32>,
    %get3A_100 = vector.shape_cast %get3A_99 : vector<16xf32> to vector<16xf32>
    %get3A_101 = arith.constant 48 : index
    %get3A_102 = tpu.vector_load %arg10[%get3A_101] {strides = array<i32>} : memref<64xf32, #tpu.memory_space<vmem>>, vector<16xf32>,
    %get3A_103 = vector.shape_cast %get3A_102 : vector<16xf32> to vector<16xf32>
    %sub3A_104 = arith.subf %get3A_97, %get3A_103 : vector<16xf32>
    %sub3A_105 = arith.subf %sub3A_104, %get3A_100 : vector<16xf32>
    %mul3A_106 = arith.constant 1.000020e-06 : f32
    %mul3A_107 = vector.broadcast %mul3A_106 : f32 to vector<16xf32>
    %mul3A_108 = arith.mulf %mul3A_107, %sub3A_105 : vector<16xf32>
    %sub3A_109 = arith.constant -1.47637355 : f32
    %sub3A_110 = vector.broadcast %sub3A_109 : f32 to vector<16xf32>
    %sub3A_111 = arith.subf %sub3A_110, %mul3A_108 : vector<16xf32>
    %mul3A_112 = arith.constant 0.899999976 : f32
    %mul3A_113 = vector.broadcast %mul3A_112 : f32 to vector<16xf32>
    %mul3A_114 = arith.mulf %mul3A_113, %get3A_100 : vector<16xf32>
    %sub3A_115 = arith.subf %sub3A_111, %mul3A_114 : vector<16xf32>
    %eq3A_116 = arith.constant 0 : i32
    %eq3A_117 = vector.broadcast %eq3A_116 : i32 to vector<16xi32>
    %eq3A_118 = arith.cmpi eq, %get3A_94, %eq3A_117 : vector<16xi32>
    %jit3A_119 = arith.constant 0.000000e+00 : f32
    %broadcast_in_dim3A_120 = vector.broadcast %jit3A_119 : f32 to vector<16xf32>
    %select_n3A_121 = arith.select %eq3A_118, %broadcast_in_dim3A_120, %sub3A_115 : vector<16xi1>, vector<16xf32>
    %add3A_122 = arith.addf %add3A_91, %select_n3A_121 : vector<16xf32>
    %swap3A = arith.constant 0 : index
    %swap3A_123 = tpu.vector_load %arg11[%swap3A] {strides = array<i32>} : memref<16xf32, #tpu.memory_space<vmem>>, vector<16xf32>,
    %swap3A_124 = vector.shape_cast %swap3A_123 : vector<16xf32> to vector<16xf32>
    %swap3A_125 = vector.shape_cast %add3A_122 : vector<16xf32> to vector<16xf32>
    tpu.vector_store %arg11[%swap3A], %swap3A_125 {strides = array<i32>} : memref<16xf32, #tpu.memory_space<vmem>>, vector<16xf32>,
    "tpu.region"() ({
      %run_scoped3A = tpu.sem_alloc : memref<!tpu.dma_semaphore, #tpu.memory_space<semaphore_mem>>
      %dma_start3A = arith.constant 0 : i32
      %dma_start3A_126 = tpu.memref_slice %arg6[%add3A, %dma_start3A] : memref<32x16xf32, #tpu.memory_space<hbm>> -> memref<1x16xf32, #tpu.memory_space<hbm>>
      %dma_start3A_127 = tpu.memref_squeeze %dma_start3A_126 : memref<1x16xf32, #tpu.memory_space<hbm>> -> memref<16xf32, #tpu.memory_space<hbm>>
      %dma_start3A_128 = arith.constant 0 : i32
      %dma_start3A_129 = tpu.memref_slice %arg6[%add3A, %dma_start3A_128] : memref<32x16xf32, #tpu.memory_space<hbm>> -> memref<1x16xf32, #tpu.memory_space<hbm>>
      %dma_start3A_130 = tpu.memref_squeeze %dma_start3A_129 : memref<1x16xf32, #tpu.memory_space<hbm>> -> memref<16xf32, #tpu.memory_space<hbm>>
      tpu.enqueue_dma source(%arg11 : memref<16xf32, #tpu.memory_space<vmem>>) target(%dma_start3A_130 : memref<16xf32, #tpu.memory_space<hbm>>) target_semaphore(%run_scoped3A : memref<!tpu.dma_semaphore, #tpu.memory_space<semaphore_mem>>)
      %dma_wait3A = arith.constant 0 : i32
      %dma_wait3A_131 = tpu.memref_slice %arg6[%add3A, %dma_wait3A] : memref<32x16xf32, #tpu.memory_space<hbm>> -> memref<1x16xf32, #tpu.memory_space<hbm>>
      %dma_wait3A_132 = tpu.memref_squeeze %dma_wait3A_131 : memref<1x16xf32, #tpu.memory_space<hbm>> -> memref<16xf32, #tpu.memory_space<hbm>>
      %dma_wait3A_133 = arith.constant 0 : i32
      %dma_wait3A_134 = tpu.memref_slice %arg6[%add3A, %dma_wait3A_133] : memref<32x16xf32, #tpu.memory_space<hbm>> -> memref<1x16xf32, #tpu.memory_space<hbm>>
      %dma_wait3A_135 = tpu.memref_squeeze %dma_wait3A_134 : memref<1x16xf32, #tpu.memory_space<hbm>> -> memref<16xf32, #tpu.memory_space<hbm>>
      tpu.wait_dma2 semaphore(%run_scoped3A : memref<!tpu.dma_semaphore, #tpu.memory_space<semaphore_mem>>) src(%arg11 : memref<16xf32, #tpu.memory_space<vmem>>) dst(%dma_wait3A_135 : memref<16xf32, #tpu.memory_space<hbm>>)
      tpu.yield
    }) : () -> ()
    return
  }
}

module attributes {stable_mosaic.version = 14 : i64} {
  func.func @_tc_body(%arg0: i32, %arg1: memref<8x2048xi32, #tpu.memory_space<vmem>>, %arg2: memref<1000x2048xf32, #tpu.memory_space<vmem>>, %arg3: memref<8x2048xf32, #tpu.memory_space<vmem>>, %arg4: memref<8x2048xf32, #tpu.memory_space<vmem>>, %arg5: memref<8x2048xf32, #tpu.memory_space<vmem>>) attributes {dimension_semantics = [#tpu.dimension_semantics<arbitrary>], iteration_bounds = array<i64: 100>, scalar_prefetch = 0 : i64, scratch_operands = 0 : i64, tpu.core_type = #tpu.core_type<tc>, window_params = [{pipeline_mode = #tpu.pipeline_mode<synchronous>, transform_indices = @transform_0, window_bounds = array<i64: 8, 2048>}, {transform_indices = @transform_1, window_bounds = array<i64: 1000, 2048>}, {pipeline_mode = #tpu.pipeline_mode<synchronous>, transform_indices = @transform_2, window_bounds = array<i64: 8, 2048>}, {pipeline_mode = #tpu.pipeline_mode<synchronous>, transform_indices = @transform_3, window_bounds = array<i64: 8, 2048>}, {pipeline_mode = #tpu.pipeline_mode<synchronous>, transform_indices = @transform_4, window_bounds = array<i64: 8, 2048>}]} {
    %iota3A = tpu.iota {dimensions = array<i32: 0>} : vector<8x2048xi32>
    %eq3A = arith.constant 0 : i32
    %eq3A_0 = arith.cmpi eq, %arg0, %eq3A : i32
    %convert_element_type3A = arith.extui %eq3A_0 : i1 to i32
    %cond3A = arith.constant 0 : i32
    %cond3A_1 = arith.cmpi ne, %convert_element_type3A, %cond3A : i32
    scf.if %cond3A_1 {
      %broadcast_in_dim3A_34 = arith.constant 0.000000e+00 : f32
      %broadcast_in_dim3A_35 = vector.broadcast %broadcast_in_dim3A_34 : f32 to vector<8x2048xf32>
      %swap3A_36 = arith.constant 0 : index
      %swap3A_37 = arith.constant 0 : index
      %swap3A_38 = vector.load %arg3[%swap3A_36, %swap3A_37] : memref<8x2048xf32, #tpu.memory_space<vmem>>, vector<8x2048xf32>
      tpu.vector_store %arg3[%swap3A_36, %swap3A_37], %broadcast_in_dim3A_35 {strides = array<i32>} : memref<8x2048xf32, #tpu.memory_space<vmem>>, vector<8x2048xf32>,
      %broadcast_in_dim3A_39 = arith.constant 0.000000e+00 : f32
      %broadcast_in_dim3A_40 = vector.broadcast %broadcast_in_dim3A_39 : f32 to vector<8x2048xf32>
      %swap3A_41 = arith.constant 0 : index
      %swap3A_42 = arith.constant 0 : index
      %swap3A_43 = vector.load %arg4[%swap3A_41, %swap3A_42] : memref<8x2048xf32, #tpu.memory_space<vmem>>, vector<8x2048xf32>
      tpu.vector_store %arg4[%swap3A_41, %swap3A_42], %broadcast_in_dim3A_40 {strides = array<i32>} : memref<8x2048xf32, #tpu.memory_space<vmem>>, vector<8x2048xf32>,
      %eq3A_44 = arith.constant 0 : i32
      %eq3A_45 = vector.broadcast %eq3A_44 : i32 to vector<8x2048xi32>
      %eq3A_46 = arith.cmpi eq, %iota3A, %eq3A_45 : vector<8x2048xi32>
      %get3A_47 = arith.constant 0 : index
      %get3A_48 = arith.constant 0 : index
      %get3A_49 = vector.load %arg2[%get3A_47, %get3A_48] : memref<1000x2048xf32, #tpu.memory_space<vmem>>, vector<8x2048xf32>
      %jit3A_50 = arith.constant 0.000000e+00 : f32
      %broadcast_in_dim3A_51 = vector.broadcast %jit3A_50 : f32 to vector<8x2048xf32>
      %select_n3A_52 = arith.select %eq3A_46, %get3A_49, %broadcast_in_dim3A_51 : vector<8x2048xi1>, vector<8x2048xf32>
      %swap3A_53 = arith.constant 0 : index
      %swap3A_54 = arith.constant 0 : index
      %swap3A_55 = vector.load %arg5[%swap3A_53, %swap3A_54] : memref<8x2048xf32, #tpu.memory_space<vmem>>, vector<8x2048xf32>
      tpu.vector_store %arg5[%swap3A_53, %swap3A_54], %select_n3A_52 {strides = array<i32>} : memref<8x2048xf32, #tpu.memory_space<vmem>>, vector<8x2048xf32>,
    } else {
    }
    %get3A = arith.constant 0 : index
    %get3A_2 = arith.constant 0 : index
    %get3A_3 = vector.load %arg2[%get3A, %get3A_2] : memref<1000x2048xf32, #tpu.memory_space<vmem>>, vector<1000x2048xf32>
    %get3A_4 = arith.constant 0 : index
    %get3A_5 = arith.constant 0 : index
    %get3A_6 = vector.load %arg3[%get3A_4, %get3A_5] : memref<8x2048xf32, #tpu.memory_space<vmem>>, vector<8x2048xf32>
    %reshape3A = vector.shape_cast %get3A_3 : vector<1000x2048xf32> to vector<125x8x2048xf32>
    %reduce_sum3A = arith.constant dense<0.000000e+00> : vector<8x2048xf32>
    %reduce_sum3A_7 = vector.multi_reduction <add>, %reshape3A, %reduce_sum3A [0] : vector<125x8x2048xf32> to vector<8x2048xf32>
    %add3A = arith.addf %get3A_6, %reduce_sum3A_7 : vector<8x2048xf32>
    %swap3A = arith.constant 0 : index
    %swap3A_8 = arith.constant 0 : index
    %swap3A_9 = vector.load %arg3[%swap3A, %swap3A_8] : memref<8x2048xf32, #tpu.memory_space<vmem>>, vector<8x2048xf32>
    tpu.vector_store %arg3[%swap3A, %swap3A_8], %add3A {strides = array<i32>} : memref<8x2048xf32, #tpu.memory_space<vmem>>, vector<8x2048xf32>,
    %mul3A = arith.constant 1000 : i32
    %mul3A_10 = arith.muli %arg0, %mul3A : i32
    %iota3A_11 = tpu.iota {dimensions = array<i32: 0>} : vector<1000x2048xi32>
    %add3A_12 = vector.broadcast %mul3A_10 : i32 to vector<1000x2048xi32>
    %add3A_13 = arith.addi %add3A_12, %iota3A_11 : vector<1000x2048xi32>
    %get3A_14 = arith.constant 0 : index
    %get3A_15 = arith.constant 0 : index
    %get3A_16 = vector.load %arg1[%get3A_14, %get3A_15] : memref<8x2048xi32, #tpu.memory_space<vmem>>, vector<1x2048xi32>
    %eq3A_17 = vector.broadcast %get3A_16 : vector<1x2048xi32> to vector<1000x2048xi32>
    %eq3A_18 = arith.cmpi eq, %add3A_13, %eq3A_17 : vector<1000x2048xi32>
    %jit3A = arith.constant 0.000000e+00 : f32
    %broadcast_in_dim3A = vector.broadcast %jit3A : f32 to vector<1000x2048xf32>
    %select_n3A = arith.select %eq3A_18, %get3A_3, %broadcast_in_dim3A : vector<1000x2048xi1>, vector<1000x2048xf32>
    %get3A_19 = arith.constant 0 : index
    %get3A_20 = arith.constant 0 : index
    %get3A_21 = vector.load %arg4[%get3A_19, %get3A_20] : memref<8x2048xf32, #tpu.memory_space<vmem>>, vector<8x2048xf32>
    %reshape3A_22 = vector.shape_cast %select_n3A : vector<1000x2048xf32> to vector<125x8x2048xf32>
    %reduce_sum3A_23 = arith.constant dense<0.000000e+00> : vector<8x2048xf32>
    %reduce_sum3A_24 = vector.multi_reduction <add>, %reshape3A_22, %reduce_sum3A_23 [0] : vector<125x8x2048xf32> to vector<8x2048xf32>
    %add3A_25 = arith.addf %get3A_21, %reduce_sum3A_24 : vector<8x2048xf32>
    %swap3A_26 = arith.constant 0 : index
    %swap3A_27 = arith.constant 0 : index
    %swap3A_28 = vector.load %arg4[%swap3A_26, %swap3A_27] : memref<8x2048xf32, #tpu.memory_space<vmem>>, vector<8x2048xf32>
    tpu.vector_store %arg4[%swap3A_26, %swap3A_27], %add3A_25 {strides = array<i32>} : memref<8x2048xf32, #tpu.memory_space<vmem>>, vector<8x2048xf32>,
    %eq3A_29 = arith.constant 99 : i32
    %eq3A_30 = arith.cmpi eq, %arg0, %eq3A_29 : i32
    %convert_element_type3A_31 = arith.extui %eq3A_30 : i1 to i32
    %cond3A_32 = arith.constant 0 : i32
    %cond3A_33 = arith.cmpi ne, %convert_element_type3A_31, %cond3A_32 : i32
    scf.if %cond3A_33 {
      %get3A_34 = arith.constant 0 : index
      %get3A_35 = arith.constant 0 : index
      %get3A_36 = vector.load %arg3[%get3A_34, %get3A_35] : memref<8x2048xf32, #tpu.memory_space<vmem>>, vector<8x2048xf32>
      %reduce_sum3A_37 = arith.constant dense<0.000000e+00> : vector<2048xf32>
      %reduce_sum3A_38 = vector.multi_reduction <add>, %get3A_36, %reduce_sum3A_37 [0] : vector<8x2048xf32> to vector<2048xf32>
      %broadcast_in_dim3A_39 = vector.shape_cast %reduce_sum3A_38 : vector<2048xf32> to vector<1x2048xf32>
      %get3A_40 = arith.constant 0 : index
      %get3A_41 = arith.constant 0 : index
      %get3A_42 = vector.load %arg4[%get3A_40, %get3A_41] : memref<8x2048xf32, #tpu.memory_space<vmem>>, vector<8x2048xf32>
      %reduce_sum3A_43 = arith.constant dense<0.000000e+00> : vector<2048xf32>
      %reduce_sum3A_44 = vector.multi_reduction <add>, %get3A_42, %reduce_sum3A_43 [0] : vector<8x2048xf32> to vector<2048xf32>
      %broadcast_in_dim3A_45 = vector.shape_cast %reduce_sum3A_44 : vector<2048xf32> to vector<1x2048xf32>
      %eq3A_46 = arith.constant 0 : i32
      %eq3A_47 = vector.broadcast %eq3A_46 : i32 to vector<8x2048xi32>
      %eq3A_48 = arith.cmpi eq, %iota3A, %eq3A_47 : vector<8x2048xi32>
      %jit3A_49 = arith.constant 0.000000e+00 : f32
      %broadcast_in_dim3A_50 = vector.shape_cast %broadcast_in_dim3A_39 : vector<1x2048xf32> to vector<1x2048xf32>
      %broadcast_in_dim3A_51 = vector.broadcast %broadcast_in_dim3A_50 : vector<1x2048xf32> to vector<8x2048xf32>
      %broadcast_in_dim3A_52 = vector.broadcast %jit3A_49 : f32 to vector<8x2048xf32>
      %select_n3A_53 = arith.select %eq3A_48, %broadcast_in_dim3A_51, %broadcast_in_dim3A_52 : vector<8x2048xi1>, vector<8x2048xf32>
      %swap3A_54 = arith.constant 0 : index
      %swap3A_55 = arith.constant 0 : index
      %swap3A_56 = vector.load %arg3[%swap3A_54, %swap3A_55] : memref<8x2048xf32, #tpu.memory_space<vmem>>, vector<8x2048xf32>
      tpu.vector_store %arg3[%swap3A_54, %swap3A_55], %select_n3A_53 {strides = array<i32>} : memref<8x2048xf32, #tpu.memory_space<vmem>>, vector<8x2048xf32>,
      %eq3A_57 = arith.constant 0 : i32
      %eq3A_58 = vector.broadcast %eq3A_57 : i32 to vector<8x2048xi32>
      %eq3A_59 = arith.cmpi eq, %iota3A, %eq3A_58 : vector<8x2048xi32>
      %jit3A_60 = arith.constant 0.000000e+00 : f32
      %broadcast_in_dim3A_61 = vector.shape_cast %broadcast_in_dim3A_45 : vector<1x2048xf32> to vector<1x2048xf32>
      %broadcast_in_dim3A_62 = vector.broadcast %broadcast_in_dim3A_61 : vector<1x2048xf32> to vector<8x2048xf32>
      %broadcast_in_dim3A_63 = vector.broadcast %jit3A_60 : f32 to vector<8x2048xf32>
      %select_n3A_64 = arith.select %eq3A_59, %broadcast_in_dim3A_62, %broadcast_in_dim3A_63 : vector<8x2048xi1>, vector<8x2048xf32>
      %swap3A_65 = arith.constant 0 : index
      %swap3A_66 = arith.constant 0 : index
      %swap3A_67 = vector.load %arg4[%swap3A_65, %swap3A_66] : memref<8x2048xf32, #tpu.memory_space<vmem>>, vector<8x2048xf32>
      tpu.vector_store %arg4[%swap3A_65, %swap3A_66], %select_n3A_64 {strides = array<i32>} : memref<8x2048xf32, #tpu.memory_space<vmem>>, vector<8x2048xf32>,
    } else {
    }
    return
  }
  func.func @transform_0(%arg0: i32) -> (i32, i32) {
    %c0_i32 = arith.constant 0 : i32
    %c0_i32_0 = arith.constant 0 : i32
    %c0_i32_1 = arith.constant 0 : i32
    return %c0_i32, %c0_i32_0 : i32, i32
  }
  func.func @transform_1(%arg0: i32) -> (i32, i32) {
    %c0_i32 = arith.constant 0 : i32
    %c0_i32_0 = arith.constant 0 : i32
    return %arg0, %c0_i32 : i32, i32
  }
  func.func @transform_2(%arg0: i32) -> (i32, i32) {
    %c0_i32 = arith.constant 0 : i32
    %c0_i32_0 = arith.constant 0 : i32
    %c0_i32_1 = arith.constant 0 : i32
    return %c0_i32, %c0_i32_0 : i32, i32
  }
  func.func @transform_3(%arg0: i32) -> (i32, i32) {
    %c0_i32 = arith.constant 0 : i32
    %c0_i32_0 = arith.constant 0 : i32
    %c0_i32_1 = arith.constant 0 : i32
    return %c0_i32, %c0_i32_0 : i32, i32
  }
  func.func @transform_4(%arg0: i32) -> (i32, i32) {
    %c0_i32 = arith.constant 0 : i32
    %c0_i32_0 = arith.constant 0 : i32
    %c0_i32_1 = arith.constant 0 : i32
    return %c0_i32, %c0_i32_0 : i32, i32
  }
}

</mosaic_0001>

<sc_bundles>
// kernel: kernel.4.cloned.1.call-start
scs
__scs_entry_jumppad:
0x0: {  	(pc) =	sbr.rel $0x88, $3  }
0x1: {  	(tag) =	ssettag $0x0;
	lr =	simm.s32 $0x1  }
0x2: {  	[smem:$0x3F9F] =	sst lr;
	_ =	strace $0xD0000000  }
0x3: {  	_ = 	snop  }
0x4: {  	_ = 	snop  }
0x5: {  	_ = 	snop  }
0x6: {  	_ = 	snop  }
0x7: {  	_ = 	snop  }
__scs_overlays_trampoline_lowered:
0x8: {  	[smem:$0x3FAE] =	sst s0  }
0x9: {  	[smem:$0x3FAF] =	sst s1  }
0xa: {  	[smem:$0x3FB0] =	sst s2  }
0xb: {  	[smem:$0x3FB1] =	sst s3  }
0xc: {  	[smem:$0x3FB2] =	sst s4  }
0xd: {  	[smem:$0x3FB3] =	sst s5  }
0xe: {  	[smem:$0x3FB4] =	sst s6  }
0xf: {  	[smem:$0x3FB5] =	sst s7  }
0x10: {  	[smem:$0x3FB6] =	sst s8  }
0x11: {  	[smem:$0x3FB7] =	sst s9;
	s0 =	simm.s32 @!p0 $0x0  }
0x12: {  	s1 =	sld [smem:$0x3F9D];
	s0 =	simm.s32 @p0 $0x1  }
0x13: {  	[smem:$0x3FB8] =	sst s0;
	s0 =	simm.s32 @!p1 $0x0  }
0x14: {  	s2 =	sld [smem:$0x3F9C];
	s0 =	simm.s32 @p1 $0x1  }
0x15: {  	[smem:$0x3FB9] =	sst s0;
	s0 =	simm.s32 @!p2 $0x0  }
0x16: {  	s3 =	sld [smem:$0x3FDB];
	s0 =	simm.s32 @p2 $0x1  }
0x17: {  	s4 =	simm.s32 $0x1BF5;
	[smem:$0x3FBB] =	sst s0  }
0x18: {  	s0 =	sld [smem:$0x3F9E];
	_ =	swait.ge [sflag:s4], $0x0  }
0x19: {  	s7 =	sld [smem:$0x3F9F]  }
0x1a: {  	s8 =	sadd.s32 $0xFFFFE003, lr  }
0x1b: {  	s9 =	sadd.s32 $0xFFFFFEF7, lr;
	s5 =	simm.s32 $0xFFFFFFFF;
	p2 =	slt.u32 s8, $0xFFFFF086  }
0x1c: {  	p1 =	slt.u32 s9, $0xF7A;
	s5 =	simm.s32 @!p2 $0x0  }
0x1d: {  	s5 =	simm.s32 @p1 $0x1;
	p0 =	seq.s32 s7, s2  }
0x1e: {  	s7 =	smul.u32 @!p0 $0xF7A, s2;
	p2 =	seq.s32 @!p0 s5, $0x0  }
0x1f: {  	s9 =	smul.u32 $0xF7A, s1;
	s8 =	simm.s32 @!p0 $0x1BF5;
	p2 =	por !p2, p0  }
0x20: {  	[sflag:s8] =	ssyncset.s32 @!p0 $0xFFFFF086;
	s6 =	sadd.s32 @!p0 s3, s7;
	s7 =	simm.s32 @!p0 $0x108  }
0x21: {  	s3 =	sadd.s32 s3, s9;
	s6 =	sadd.s32 @!p0 $0x88, s6;
	s7 =	simm.s32 @p2 $0x1082  }
0x22: {  	[simem:s7], [sflag:s8] =	dma.local @!p0 [hbm:s6], $0xF7A  }
0x23: {  	s9 =	sor.u32 $0xD0000000, s2;
	s6 =	simm.s32 $0x108;
	_ =	swait.ge @!p0 [sflag:s8], $0x0  }
0x24: {  	s3 =	sadd.s32 $0x88, s3;
	s6 =	simm.s32 @!p1 $0x1082;
	[sflag:s4] =	ssyncset.s32 $0xFFFFF086  }
0x25: {  	[simem:s6], [sflag:s4] =	dma.local [hbm:s3], $0xF7A  }
0x26: {  	[smem:$0x3F9F] =	sst s1;
	(tag) =	ssettag s2;
	_ =	strace s9  }
0x27: {  	s1 =	sld [smem:$0x3FAF]  }
0x28: {  	s2 =	sld [smem:$0x3FB0]  }
0x29: {  	s4 =	sld [smem:$0x3FB2]  }
0x2a: {  	p0 =	seq.s32 s5, $0x0;
	s5 =	sld [smem:$0x3FB3]  }
0x2b: {  	s6 =	sld [smem:$0x3FB4]  }
0x2c: {  	s7 =	sld [smem:$0x3FB5]  }
0x2d: {  	s3 =	simm.s32 $0x108;
	s8 =	sld [smem:$0x3FB6]  }
0x2e: {  	s3 =	simm.s32 @!p0 $0x1082;
	s9 =	sld [smem:$0x3FB7]  }
0x2f: {  	lr =	sadd.s32 s0, s3;
	s0 =	sld [smem:$0x3FAE]  }
0x30: {  	s3 =	sld [smem:$0x3FB1]  }
0x31: {  	[smem:$0x3FBA] =	sst s10  }
0x32: {  	s10 =	sld [smem:$0x3FB8];
	_ =	sdelay $0x3  }
0x33: {  	p0 =	seq.s32 s10, $0x1;
	s10 =	sld [smem:$0x3FBA];
	_ =	sdelay $0x3  }
0x34: {  	[smem:$0x3FBA] =	sst s10  }
0x35: {  	s10 =	sld [smem:$0x3FB9];
	_ =	sdelay $0x3  }
0x36: {  	p1 =	seq.s32 s10, $0x1;
	s10 =	sld [smem:$0x3FBA];
	_ =	sdelay $0x3  }
0x37: {  	[smem:$0x3FBA] =	sst s10  }
0x38: {  	s10 =	sld [smem:$0x3FBB]  }
0x39: {  	_ = 	snop;
	(pc) =	sbr.ind lr, $3  }
0x3a: {  	_ = 	snop  }
0x3b: {  	_ = 	snop  }
0x3c: {  	p2 =	seq.s32 s10, $0x1;
	s10 =	sld [smem:$0x3FBA]  }
0x3d: {  	_ =	shalt  }
0x3e: {  	_ =	shalt  }
0x3f: {  	_ =	shalt  }
0x40: {  	_ =	shalt  }
0x41: {  	_ =	shalt  }
0x42: {  	_ =	shalt  }
0x43: {  	_ =	shalt  }
0x44: {  	_ =	shalt  }
0x45: {  	_ =	shalt  }
0x46: {  	_ =	shalt  }
0x47: {  	_ =	shalt  }
0x48: {  	_ =	shalt  }
0x49: {  	_ =	shalt  }
0x4a: {  	_ =	shalt  }
0x4b: {  	_ =	shalt  }
0x4c: {  	_ =	shalt  }
0x4d: {  	_ =	shalt  }
0x4e: {  	_ =	shalt  }
0x4f: {  	_ =	shalt  }
0x50: {  	_ =	shalt  }
0x51: {  	_ =	shalt  }
0x52: {  	_ =	shalt  }
0x53: {  	_ =	shalt  }
0x54: {  	_ =	shalt  }
0x55: {  	_ =	shalt  }
0x56: {  	_ =	shalt  }
0x57: {  	_ =	shalt  }
0x58: {  	_ =	shalt  }
0x59: {  	_ =	shalt  }
0x5a: {  	_ =	shalt  }
0x5b: {  	_ =	shalt  }
0x5c: {  	_ =	shalt  }
0x5d: {  	_ =	shalt  }
0x5e: {  	_ =	shalt  }
0x5f: {  	_ =	shalt  }
0x60: {  	_ =	shalt  }
0x61: {  	_ =	shalt  }
0x62: {  	_ =	shalt  }
0x63: {  	_ =	shalt  }
0x64: {  	_ =	shalt  }
0x65: {  	_ =	shalt  }
0x66: {  	_ =	shalt  }
0x67: {  	_ =	shalt  }
0x68: {  	_ =	shalt  }
0x69: {  	_ =	shalt  }
0x6a: {  	_ =	shalt  }
0x6b: {  	_ =	shalt  }
0x6c: {  	_ =	shalt  }
0x6d: {  	_ =	shalt  }
0x6e: {  	_ =	shalt  }
0x6f: {  	_ =	shalt  }
0x70: {  	_ =	shalt  }
0x71: {  	_ =	shalt  }
0x72: {  	_ =	shalt  }
0x73: {  	_ =	shalt  }
0x74: {  	_ =	shalt  }
0x75: {  	_ =	shalt  }
0x76: {  	_ =	shalt  }
0x77: {  	_ =	shalt  }
0x78: {  	_ =	shalt  }
0x79: {  	_ =	shalt  }
0x7a: {  	_ =	shalt  }
0x7b: {  	_ =	shalt  }
0x7c: {  	_ =	shalt  }
0x7d: {  	_ =	shalt  }
0x7e: {  	_ =	shalt  }
0x7f: {  	_ =	shalt  }
0x80: {  	_ =	shalt  }
0x81: {  	_ =	shalt  }
0x82: {  	_ =	shalt  }
0x83: {  	_ =	shalt  }
0x84: {  	_ =	shalt  }
0x85: {  	_ =	shalt  }
0x86: {  	_ =	shalt  }
0x87: {  	_ =	shalt  }
.Lfunc_end0:
.L_simem_size_0:
called_computation_lowered:
.L_overlay_start_0:
0x88: {  	s2 =	sld [smem:$0x3FD9]  }
0x89: {  	s3 =	sld [smem:$0x3FFE];
	_ =	sdelay $0x1  }
0x8a: {  	s1 =	srdreg.scid  }
0x8b: {  	s0 =	sand.u32 $0x1, s1  }
0x8c: {  	s17 =	sshll.u32 s0, $0xA;
	s2 =	sadd.s32 s3, s2  }
0x8d: {  	s2 =	sadd.s32 s2, s17  }
0x8e: {  	[smem:$0x3FC6] =	sst s2  }
0x8f: {  	_ = 	snop  }
0x90: {  	s2 =	sld [smem:$0x3FC8];
	(tm) =	ssettm $0x1  }
0x91: {  	s18 =	sld [smem:$0x3FFB];
	_ =	sdelay $0x3  }
0x92: {  	_ =	strace s18  }
0x93: {  	s3 =	sld [smem:$0x3FFC];
	_ =	sdelay $0x3  }
0x94: {  	_ =	strace s3  }
0x95: {  	s3 =	sld [smem:$0x3FFD];
	_ =	sdelay $0x3  }
0x96: {  	_ =	strace s3  }
0x97: {  	_ =	strace $0x8FFFFFFF  }
0x98: {  	s19 =	sld [smem:$0x3FDB];
	_ =	sdelay $0x1  }
0x99: {  	s4 =	simm.s32 $_scs_section_size  }
0x9a: {  	s5 =	simm.s32 $_size__tile_overlayer_lowered;
	s6 =	simm.s32 $_tile_overlayer_lowered  }
0x9b: {  	s22 =	simm.s32 $0x1BFF;
	s21 =	sshll.u32 s6, $0x1;
	s3 =	sadd.s32 s4, s19  }
0x9c: {  	s7 =	simm.s32 $0x0;
	s20 =	sshll.u32 s5, $0x1;
	s5 =	sadd.s32 s21, s3  }
0x9d: {  	[timem:s7], [sflag:s22] =	dma.local [hbm:s5], s20  }
0x9e: {  	_ =	swait.ge [sflag:s22], s20  }
0x9f: {  	s4 =	ssub.s32 $0x0, s20;
	[sflag:s22] =	ssyncset.done $0x0  }
0xa0: {  	[sflag:s22] =	ssyncadd.s32 s4;
	_ =	sdelay $0x1  }
0xa1: {  	s23 =	simm.s32 $0x1B8B  }
0xa2: {  	_ =	swait.ge [sflag:s23], $0x1  }
0xa3: {  	[sflag:s23] =	ssyncset.done $0x0  }
0xa4: {  	s25 =	simm.s32 $0x1B8E;
	s24 =	sld [smem:$0x3FFE];
	[sflag:s23] =	ssyncadd.s32 $0xFFFFFFFF  }
0xa5: {  	s26 =	simm.s32 $execute0_lowered;
	[smem:$0x3FD2] =	sst s25  }
0xa6: {  	s5 =	sshll.u32 s26, $0x1;
	_ =	strace $0x80000046;
	[dreg:$0x1] =	wrdreg $0xFFFFFFFF  }
0xa7: {  	s28 =	simm.s32 $_size_execute0_lowered;
	s3 =	sadd.s32 s3, s5;
	[dreg:$0x0] =	wrdreg $0x0  }
0xa8: {  	s5 =	sshll.u32 s28, $0x1;
	[dreg:$0x2] =	wrdreg s3  }
0xa9: {  	[dreg:$0x3] =	wrdreg s5  }
0xaa: {  	[dreg:$0x4] =	wrdreg $0xC0  }
0xab: {  	_ =	task [dreg:s7], $0x5FFFF  }
0xac: {  	[dreg:$0x1] =	wrdreg $0xFFFFFFFF  }
0xad: {  	[dreg:$0x0] =	wrdreg $0x60  }
0xae: {  	[dreg:$0x2] =	wrdreg s2  }
0xaf: {  	[dreg:$0x3] =	wrdreg s24  }
0xb0: {  	[dreg:$0x4] =	wrdreg $0x9  }
0xb1: {  	_ =	task.clear_ibuf [dreg:s7], $0x5FFFF;
	_ =	strace $0x90000046  }
0xb2: {  	s29 =	simm.s32 $0x9;
	_ =	strace $0x80000048  }
0xb3: {  	_ =	swait.ge [sflag:s29], $0x1  }
0xb4: {  	[sflag:s29] =	ssyncadd.s32 $0xFFFFFFFF  }
0xb5: {  	_ =	strace $0x90000048  }
0xb6: {  	_ =	sfence  }
0xb7: {  	s30 =	sld [smem:$0x0];
	_ =	sdelay $0x2  }
0xb8: {  	s31 =	sshll.u32 s1, $0xD;
	s1 =	sshrl.u32 s1, $0x2  }
0xb9: {  	s3 =	sand.u32 $0x4000, s31;
	s1 =	sadd.s32 s1, s30  }
0xba: {  	s0 =	sor.u32 s3, s0;
	s1 =	sshll.u32 s1, $0x11  }
0xbb: {  	s0 =	sor.u32 s1, s0  }
0xbc: {  	s0 =	sadd.s32 $0x8F2B, s0  }
0xbd: {  	[sflag:s0] =	ssyncadd.remote.s32 $0x1  }
0xbe: {  	_ =	sfence.sel $0xFFFF  }
0xbf: {  	[dreg:$0x0] =	wrdreg $0xFFFFFFFF;
	(pc) =	sbr.abs _section_cstart, $3  }
0xc0: {  	[dreg:$0x1] =	wrdreg $0xFFFFFFFF  }
0xc1: {  	_ =	task.clear_ibuf [dreg:s7], $0x2FFFF;
	_ =	strace $0x9FFFFFFF  }
0xc2: {  	(tm) =	ssettm $0x7FFFFFFF  }
0xc3: {  	_ =	shalt  }
tec
execute0_lowered:
.L_overlay_start_1:
0x0: {  	(tag) =	ssettag $0x1  }
0x1: {  	s5 =	srdreg.scid;
	s1 =	stileid.u32  }
0x2: {  	s5 =	sand.u32 $0x1, s5;
	s6 =	sshll.u32 s1, $0x1  }
0x3: {  	s3 =	rddreg [dreg:$0x0];
	s6 =	sor.u32 s5, s6;
	s5 =	ssub.s32 $0x2, s5  }
0x4: {  	s4 =	rddreg [dreg:$0x1];
	s31 =	sshrl.u32 s5, $0x1  }
0x5: {  	s0 =	rddreg [dreg:$0x2];
	s5 =	ssub.s32 s5, s31  }
0x6: {  	s2 =	simm.s32 $0x0;
	s12 =	simm.s32 $0x80;
	s13 =	smax.u32 s5, $0x1  }
0x7: {  	s11 =	simm.s32 $0x100;
	p0 =	por $0x0, $0x0;
	p1 =	sne.s32 s13, $0x1  }
.Ltmp0:
0x8: {  	[smem:$0x7FF] =	sst s2;
	s7 =	sshll.u32 s6, $0x4;
	(pc) =	sbr.rel @!p1 .LBB2_3-.Ltmp0, $4  }
0x9: {  	_ =	strace $0x80000047;
	s6 =	sshll.u32 s6, $0x3;
	s9 =	sadd.s32 s7, s4  }
0xa: {  	s10 =	sadd.s32 s3, s6;
	s8 =	sadd.s32 s4, s6;
	s3 =	simm.s32 $0x1  }
0xb: {  	s7 =	sadd.s32 $0x200, s8;
	s6 =	sadd.s32 $0x400, s8;
	s4 =	sadd.s32 $0x600, s9  }
0xc: {  	s9 =	simm.s32 $0x180;
	s5 =	simm.s32 $0x200;
	s13 =	sadd.s32 $0xFFFFFFFF, s13  }
0xd: {  	[tilespmem:s2], [sflag:$0x1] =	stream.linear.gather [hbm4b:s10+s2], $0x40, $0x38;
	[tilespmem:$0x280] =	vst v63  }
0xe: {  	p1 =	sne.s32 s13, $0x1  }
.Ltmp1:
0xf: {  	_ = 	snop;
	(pc) =	sbr.rel @!p1 .LBB2_3-.Ltmp1, $4  }
0x10: {  	_ =	swait.ge [sflag:s3], $0x40  }
0x11: {  	[sflag:s3] =	ssyncset.done $0x0  }
0x12: {  	s13 =	sadd.s32 $0xFFFFFFFF, s13;
	p0 =	por $0x1, $0x1;
	[sflag:s3] =	ssyncadd.s32 $0xFFFFFFC0  }
0x13: {  	[tilespmem:s12], [sflag:$0x1] =	stream.linear.gather [hbm4b:s8+s2], $0x40, $0x38;
	[tilespmem:$0x280] =	vst v63  }
.LBB2_2:
0x14: {  	p1 =	sne.s32 s13, $0x1;
	s13 =	sadd.s32 $0xFFFFFFFF, s13;
	_ =	swait.ge [sflag:s3], $0x40  }
0x15: {  	[sflag:s3] =	ssyncset.done $0x0  }
0x16: {  	[sflag:s3] =	ssyncadd.s32 $0xFFFFFFC0  }
0x17: {  	[tilespmem:s11], [sflag:$0x1] =	stream.linear.gather [hbm4b:s7+s2], $0x40, $0x38;
	[tilespmem:$0x280] =	vst v63  }
0x18: {  	_ =	swait.ge [sflag:s3], $0x40  }
0x19: {  	[sflag:s3] =	ssyncset.done $0x0  }
0x1a: {  	[sflag:s3] =	ssyncadd.s32 $0xFFFFFFC0  }
0x1b: {  	[tilespmem:s9], [sflag:$0x1] =	stream.linear.gather [hbm4b:s6+s2], $0x40, $0x38;
	[tilespmem:$0x280] =	vst v63  }
0x1c: {  	_ =	swait.ge [sflag:s3], $0x40  }
0x1d: {  	[sflag:s3] =	ssyncset.done $0x0  }
0x1e: {  	[sflag:s3] =	ssyncadd.s32 $0xFFFFFFC0  }
0x1f: {  	v0 =	vld [tilespmem:$0x110]  }
0x20: {  	v1 =	vld [tilespmem:$0x80]  }
0x21: {  	v2 =	vld [tilespmem:$0x190]  }
0x22: {  	v3 =	vld [tilespmem:$0x1A0]  }
0x23: {  	v4 =	vld [tilespmem:$0xA0]  }
0x24: {  	v5 =	vld [tilespmem:$0x90]  }
0x25: {  	v6 =	vld [tilespmem:$0x180]  }
0x26: {  	v7 =	vld [tilespmem:$0x120]  }
0x27: {  	v9 =	vmul.f32 $8.999999760e-01, v0;
	v8 =	vld [tilespmem:$0x100]  }
0x28: {  	v10 =	vld [tilespmem:$0xB0]  }
0x29: {  	v3 =	vsub.f32 v4, v3;
	v2 =	vsub.f32 v5, v2;
	v4 =	vld [tilespmem:$0x1B0]  }
0x2a: {  	v5 =	vld [tilespmem:$0x0];
	v1 =	vsub.f32 v1, v6  }
0x2b: {  	v0 =	vsub.f32 v2, v0;
	v2 =	vsub.f32 v3, v7;
	v3 =	vld [tilespmem:$0x130]  }
0x2c: {  	v1 =	vsub.f32 v1, v8;
	v6 =	vld [tilespmem:$0x10]  }
0x2d: {  	v0 =	vmul.f32 $1.000020010e-06, v0;
	v11 =	vld [tilespmem:$0x20];
	v2 =	vmul.f32 $1.000020010e-06, v2  }
0x2e: {  	v1 =	vmul.f32 $1.000020010e-06, v1;
	v12 =	vld [tilespmem:$0x30];
	v4 =	vsub.f32 v10, v4  }
0x2f: {  	v7 =	vmul.f32 $8.999999760e-01, v7;
	v0 =	vsub.f32 $-1.476373550e+00, v0;
	v2 =	vsub.f32 $-1.476373550e+00, v2  }
0x30: {  	v8 =	vmul.f32 $8.999999760e-01, v8;
	v1 =	vsub.f32 $-1.476373550e+00, v1;
	v4 =	vsub.f32 v4, v3  }
0x31: {  	v0 =	vsub.f32 v0, v9;
	v2 =	vsub.f32 v2, v7  }
0x32: {  	v1 =	vsub.f32 v1, v8;
	v4 =	vmul.f32 $1.000020010e-06, v4  }
0x33: {  	vm0 =	veq.s32 v5, $0x0;
	v3 =	vmul.f32 $8.999999760e-01, v3;
	vm1 =	veq.s32 v6, $0x0  }
0x34: {  	v0 =	vsel vm1, $0x0, v0;
	v1 =	vsel vm0, $0x0, v1;
	v4 =	vsub.f32 $-1.476373550e+00, v4  }
0x35: {  	vm0 =	veq.s32 v11, $0x0;
	v0 =	vadd.f32 v0, v1  }
0x36: {  	v1 =	vsel vm0, $0x0, v2;
	v2 =	vsub.f32 v4, v3  }
0x37: {  	vm0 =	veq.s32 v12, $0x0;
	v0 =	vadd.f32 v1, v0  }
0x38: {  	v1 =	vsel vm0, $0x0, v2  }
0x39: {  	v0 =	vadd.f32 v1, v0;
	_ =	sdelay $0x1  }
0x3a: {  	[tilespmem:$0x200] =	vst v0  }
0x3b: {  	[hbm4b:s4+s2] =	stream.linear.scatter [tilespmem:s5], [sflag:$0x1], $0x80, $0x38;
	[tilespmem:$0x280] =	vst v63  }
0x3c: {  	_ =	swait.ge [sflag:s3], $0x80  }
0x3d: {  	[sflag:s3] =	ssyncset.done $0x0  }
0x3e: {  	[sflag:s3] =	ssyncadd.s32 $0xFFFFFF80  }
0x3f: {  	[tilespmem:s2], [sflag:$0x1] =	stream.linear.gather [hbm4b:s10+s2], $0x40, $0x38;
	[tilespmem:$0x280] =	vst v63  }
.Ltmp2:
0x40: {  	_ = 	snop;
	(pc) =	sbr.rel @p1 .LBB2_2-.Ltmp2, $4  }
0x41: {  	_ =	swait.ge [sflag:s3], $0x40  }
0x42: {  	[sflag:s3] =	ssyncset.done $0x0  }
0x43: {  	[sflag:s3] =	ssyncadd.s32 $0xFFFFFFC0  }
0x44: {  	[tilespmem:s12], [sflag:$0x1] =	stream.linear.gather [hbm4b:s8+s2], $0x40, $0x38;
	[tilespmem:$0x280] =	vst v63  }
.LBB2_3:
0x45: {  	_ =	swait.ge @p0 [sflag:s3], $0x40  }
0x46: {  	[sflag:s3] =	ssyncset.done @p0 $0x0  }
0x47: {  	[sflag:s3] =	ssyncadd.s32 @p0 $0xFFFFFFC0  }
0x48: {  	[tilespmem:s11], [sflag:$0x1] =	stream.linear.gather @p0 [hbm4b:s7+s2], $0x40, $0x38;
	[tilespmem:$0x280] =	vst v63  }
0x49: {  	_ =	swait.ge @p0 [sflag:s3], $0x40  }
0x4a: {  	[sflag:s3] =	ssyncset.done @p0 $0x0  }
0x4b: {  	[sflag:s3] =	ssyncadd.s32 @p0 $0xFFFFFFC0  }
0x4c: {  	[tilespmem:s9], [sflag:$0x1] =	stream.linear.gather @p0 [hbm4b:s6+s2], $0x40, $0x38;
	[tilespmem:$0x280] =	vst v63  }
0x4d: {  	_ =	swait.ge @p0 [sflag:s3], $0x40  }
0x4e: {  	[sflag:s3] =	ssyncset.done @p0 $0x0  }
0x4f: {  	[sflag:s3] =	ssyncadd.s32 @p0 $0xFFFFFFC0  }
0x50: {  	v0 =	vld @p0 [tilespmem:$0x110]  }
0x51: {  	v1 =	vld @p0 [tilespmem:$0x80]  }
0x52: {  	v2 =	vld @p0 [tilespmem:$0x190]  }
0x53: {  	v3 =	vld @p0 [tilespmem:$0x1A0]  }
0x54: {  	v4 =	vld @p0 [tilespmem:$0xA0]  }
0x55: {  	v5 =	vld @p0 [tilespmem:$0x90]  }
0x56: {  	v6 =	vld @p0 [tilespmem:$0x180]  }
0x57: {  	v7 =	vld @p0 [tilespmem:$0x120]  }
0x58: {  	v8 =	vld @p0 [tilespmem:$0x100]  }
0x59: {  	v9 =	vld @p0 [tilespmem:$0xB0]  }
0x5a: {  	v2 =	vsub.f32 @p0 v5, v2;
	v3 =	vsub.f32 @p0 v4, v3;
	v4 =	vld @p0 [tilespmem:$0x1B0]  }
0x5b: {  	v1 =	vsub.f32 @p0 v1, v6  }
0x5c: {  	v5 =	vld @p0 [tilespmem:$0x130];
	v2 =	vsub.f32 @p0 v2, v0  }
0x5d: {  	v10 =	vld @p0 [tilespmem:$0x10];
	v1 =	vsub.f32 @p0 v1, v8  }
0x5e: {  	v3 =	vsub.f32 @p0 v3, v7;
	v2 =	vmul.f32 @p0 $1.000020010e-06, v2  }
0x5f: {  	v6 =	vld @p0 [tilespmem:$0x0];
	v1 =	vmul.f32 @p0 $1.000020010e-06, v1;
	v4 =	vsub.f32 @p0 v9, v4  }
0x60: {  	v0 =	vmul.f32 @p0 $8.999999760e-01, v0;
	v3 =	vmul.f32 @p0 $1.000020010e-06, v3;
	v2 =	vsub.f32 @p0 $-1.476373550e+00, v2  }
0x61: {  	v8 =	vmul.f32 @p0 $8.999999760e-01, v8;
	v9 =	vld @p0 [tilespmem:$0x20];
	v1 =	vsub.f32 @p0 $-1.476373550e+00, v1;
	v4 =	vsub.f32 @p0 v4, v5  }
0x62: {  	vm1 =	veq.s32 @p0 v10, $0x0;
	v7 =	vmul.f32 @p0 $8.999999760e-01, v7;
	v3 =	vsub.f32 @p0 $-1.476373550e+00, v3  }
0x63: {  	v0 =	vsub.f32 @p0 v2, v0;
	v2 =	vld @p0 [tilespmem:$0x30];
	v1 =	vsub.f32 @p0 v1, v8;
	v4 =	vmul.f32 @p0 $1.000020010e-06, v4  }
0x64: {  	vm0 =	veq.s32 @p0 v6, $0x0;
	v5 =	vmul.f32 @p0 $8.999999760e-01, v5;
	v3 =	vsub.f32 @p0 v3, v7  }
0x65: {  	v1 =	vsel @p0 vm0, $0x0, v1;
	v0 =	vsel @p0 vm1, $0x0, v0;
	v4 =	vsub.f32 @p0 $-1.476373550e+00, v4  }
0x66: {  	vm0 =	veq.s32 @p0 v9, $0x0;
	v0 =	vadd.f32 @p0 v0, v1  }
0x67: {  	v1 =	vsel @p0 vm0, $0x0, v3;
	v3 =	vsub.f32 @p0 v4, v5  }
0x68: {  	v0 =	vadd.f32 @p0 v1, v0;
	vm0 =	veq.s32 @p0 v2, $0x0  }
0x69: {  	v1 =	vsel @p0 vm0, $0x0, v3  }
0x6a: {  	v0 =	vadd.f32 @p0 v1, v0;
	_ =	sdelay $0x1  }
0x6b: {  	[tilespmem:$0x200] =	vst @p0 v0  }
0x6c: {  	[hbm4b:s4+s2] =	stream.linear.scatter @p0 [tilespmem:s5], [sflag:$0x1], $0x80, $0x38;
	[tilespmem:$0x280] =	vst v63  }
0x6d: {  	_ =	swait.ge @p0 [sflag:s3], $0x80  }
0x6e: {  	[sflag:s3] =	ssyncset.done @p0 $0x0  }
0x6f: {  	[sflag:s3] =	ssyncadd.s32 @p0 $0xFFFFFF80  }
0x70: {  	[tilespmem:s2], [sflag:$0x1] =	stream.linear.gather [hbm4b:s10+s2], $0x40, $0x38;
	[tilespmem:$0x280] =	vst v63  }
0x71: {  	_ =	swait.ge [sflag:s3], $0x40  }
0x72: {  	[sflag:s3] =	ssyncset.done $0x0  }
0x73: {  	[sflag:s3] =	ssyncadd.s32 $0xFFFFFFC0  }
0x74: {  	[tilespmem:s12], [sflag:$0x1] =	stream.linear.gather [hbm4b:s8+s2], $0x40, $0x38;
	[tilespmem:$0x280] =	vst v63  }
0x75: {  	_ =	swait.ge [sflag:s3], $0x40  }
0x76: {  	[sflag:s3] =	ssyncset.done $0x0  }
0x77: {  	[sflag:s3] =	ssyncadd.s32 $0xFFFFFFC0  }
0x78: {  	[tilespmem:s11], [sflag:$0x1] =	stream.linear.gather [hbm4b:s7+s2], $0x40, $0x38;
	[tilespmem:$0x280] =	vst v63  }
0x79: {  	_ =	swait.ge [sflag:s3], $0x40  }
0x7a: {  	[sflag:s3] =	ssyncset.done $0x0  }
0x7b: {  	[sflag:s3] =	ssyncadd.s32 $0xFFFFFFC0  }
0x7c: {  	[tilespmem:s9], [sflag:$0x1] =	stream.linear.gather [hbm4b:s6+s2], $0x40, $0x38;
	[tilespmem:$0x280] =	vst v63  }
0x7d: {  	_ =	swait.ge [sflag:s3], $0x40  }
0x7e: {  	[sflag:s3] =	ssyncset.done $0x0  }
0x7f: {  	[sflag:s3] =	ssyncadd.s32 $0xFFFFFFC0  }
0x80: {  	v45 =	vld [tilespmem:$0x110]  }
0x81: {  	v46 =	vld [tilespmem:$0x80]  }
0x82: {  	v47 =	vld [tilespmem:$0x190]  }
0x83: {  	v48 =	vld [tilespmem:$0x1A0]  }
0x84: {  	v49 =	vld [tilespmem:$0xA0]  }
0x85: {  	v50 =	vld [tilespmem:$0x90]  }
0x86: {  	v51 =	vld [tilespmem:$0x180]  }
0x87: {  	v52 =	vld [tilespmem:$0x120]  }
0x88: {  	v53 =	vld [tilespmem:$0x100]  }
0x89: {  	v54 =	vld [tilespmem:$0xB0]  }
0x8a: {  	v55 =	vld [tilespmem:$0x1B0];
	_ =	sdelay $0x1  }
0x8b: {  	v56 =	vld [tilespmem:$0x130];
	v2 =	vsub.f32 v50, v47;
	v1 =	vsub.f32 v46, v51  }
0x8c: {  	v3 =	vsub.f32 v49, v48  }
0x8d: {  	v2 =	vsub.f32 v2, v45;
	v1 =	vsub.f32 v1, v53  }
0x8e: {  	v57 =	vld [tilespmem:$0x0];
	v4 =	vsub.f32 v54, v55;
	v3 =	vsub.f32 v3, v52  }
0x8f: {  	v58 =	vld [tilespmem:$0x10];
	v2 =	vmul.f32 $1.000020010e-06, v2;
	v1 =	vmul.f32 $1.000020010e-06, v1  }
0x90: {  	v0 =	vmul.f32 $8.999999760e-01, v45;
	v4 =	vsub.f32 v4, v56;
	v3 =	vmul.f32 $1.000020010e-06, v3  }
0x91: {  	v59 =	vld [tilespmem:$0x20];
	v8 =	vmul.f32 $8.999999760e-01, v53;
	v2 =	vsub.f32 $-1.476373550e+00, v2;
	v1 =	vsub.f32 $-1.476373550e+00, v1  }
0x92: {  	v7 =	vmul.f32 $8.999999760e-01, v52;
	v4 =	vmul.f32 $1.000020010e-06, v4;
	v3 =	vsub.f32 $-1.476373550e+00, v3  }
0x93: {  	v60 =	vld [tilespmem:$0x30];
	vm12 =	veq.s32 v57, $0x0;
	v0 =	vsub.f32 v2, v0;
	v1 =	vsub.f32 v1, v8  }
0x94: {  	vm13 =	veq.s32 v58, $0x0;
	v5 =	vmul.f32 $8.999999760e-01, v56;
	v4 =	vsub.f32 $-1.476373550e+00, v4  }
0x95: {  	v3 =	vsub.f32 v3, v7;
	v1 =	vsel vm12, $0x0, v1;
	v0 =	vsel vm13, $0x0, v0  }
0x96: {  	vm14 =	veq.s32 v59, $0x0;
	v0 =	vadd.f32 v0, v1  }
0x97: {  	v62 =	vsub.f32 v4, v5;
	v61 =	vsel vm14, $0x0, v3  }
0x98: {  	vm15 =	veq.s32 v60, $0x0;
	v0 =	vadd.f32 v61, v0  }
0x99: {  	v63 =	vsel vm15, $0x0, v62  }
0x9a: {  	v0 =	vadd.f32 v63, v0;
	_ =	sdelay $0x1  }
0x9b: {  	[tilespmem:$0x200] =	vst v0  }
0x9c: {  	[hbm4b:s4+s2] =	stream.linear.scatter [tilespmem:s5], [sflag:$0x1], $0x80, $0x38;
	[tilespmem:$0x280] =	vst v63  }
0x9d: {  	_ =	swait.ge [sflag:s3], $0x80  }
0x9e: {  	[sflag:s3] =	ssyncset.done $0x0  }
0x9f: {  	[sflag:s3] =	ssyncadd.s32 $0xFFFFFF80  }
0xa0: {  	_ =	sfence.sel $0x180000  }
0xa1: {  	[bflag:$0x0] =	sbarrier.arrive $0xFFFF  }
0xa2: {  	p0 =	sne.s32 s1, $0x0;
	_ =	strace $0x90000047  }
0xa3: {  	s0 =	sadd.s32 @!p0 $0x100000, s0;
	[bflag:$0x2] =	sbarrier.arrive $0xFFFF  }
0xa4: {  	[sflag:s0] =	ssyncadd.tile.s32 @!p0 $0x1;
	_ =	shalt  }
.Lfunc_end2:
_tile_overlayer_lowered:
.L_overlay_start_2:
0xa5: {  	(tag) =	ssettag $0x2  }
0xa6: {  	s0 =	rddreg [dreg:$0x0];
	s2 =	stileid.u32  }
0xa7: {  	s1 =	rddreg [dreg:$0x1];
	p0 =	sne.s32 s2, $0x0  }
0xa8: {  	s3 =	rddreg [dreg:$0x2];
	[bflag:$0x3] =	sbarrier.arrive $0xFFFF;
	s2 =	simm.s32 @!p0 $0x1C01  }
0xa9: {  	[timem:s3], [sflag:s2] =	dma.local @!p0 [hbm:s0], s1  }
0xaa: {  	s0 =	simm.s32 @!p0 $0x1  }
0xab: {  	_ =	swait.ge @!p0 [sflag:s0], s1  }
0xac: {  	s1 =	ssub.s32 @!p0 $0x0, s1;
	[sflag:s0] =	ssyncset.done @!p0 $0x0  }
0xad: {  	[sflag:s0] =	ssyncadd.s32 @!p0 s1  }
0xae: {  	[bflag:$0x3] =	sbarrier.arrive $0xFFFF  }
0xaf: {  	_ =	shalt  }

</sc_bundles>
